<compile_context>
chip_gen: v7x
topology: tpu7x:2x2x1
jax: 0.10.2.dev20260603
libtpu: 0.0.44.dev20260713+nightly
codegen_flags: <defaults>
</compile_context>

<pallas_src>
import functools

import jax
import jax.numpy as jnp
from jax import lax
from jax.experimental import pallas as pl
from jax.experimental.pallas import tpu as pltpu
from jax.experimental.pallas import tpu_sc as plsc

NODE_HIDDEN_ = 128
E_ = 4
_NUM_CORES, _NUM_SUBCORES = 2, 16


def _tc_body(hv_ref, W_ref, b_ref, lp_ref, lse_ref):
    n_dests = hv_ref.shape[1] - 1
    hvb = hv_ref[0]
    dests = hvb[:n_dests, :]
    src = hvb[n_dests:, :]
    W = W_ref[...]
    Wd = W[:, :NODE_HIDDEN_]
    Ws = W[:, NODE_HIDDEN_:]
    sd = lax.dot_general(Wd, dests, (((1,), (1,)), ((), ())),
                         preferred_element_type=jnp.float32)
    ss = lax.dot_general(Ws, src, (((1,), (1,)), ((), ())),
                         preferred_element_type=jnp.float32)
    scores = sd + ss + b_ref[...]
    m = jnp.max(scores)
    ex = jnp.exp(scores - m)
    lse = m + jnp.log(jnp.sum(ex))
    lp_ref[0] = scores - lse
    lse_ref[0, 0, 0] = lse


def _chosen_score_sc(hv, d_enc, W, b):
    B, N, D = hv.shape
    L = 16
    n_tiles = B // L
    mesh = plsc.VectorSubcoreMesh(core_axis_name="c", subcore_axis_name="s",
                                  num_cores=_NUM_CORES,
                                  num_subcores=_NUM_SUBCORES)
    w_aug = jnp.concatenate(
        [W, b[:, None], jnp.zeros((E_, 127), jnp.float32)], axis=1)

    @functools.partial(
        pl.kernel,
        out_type=jax.ShapeDtypeStruct((n_tiles, 128), jnp.float32),
        mesh=mesh,
        scratch_types=[
            pltpu.VMEM((B,), jnp.int32),
            pltpu.VMEM((L,), jnp.int32),
            pltpu.VMEM((L,), jnp.int32),
            pltpu.VMEM((L,), jnp.int32),
            pltpu.VMEM((L, D), jnp.float32),
            pltpu.VMEM((L, D), jnp.float32),
            pltpu.VMEM((L, 3 * D), jnp.float32),
            pltpu.VMEM((128,), jnp.float32),
            pltpu.SemaphoreType.DMA,
            pltpu.SemaphoreType.DMA,
            pltpu.SemaphoreType.DMA,
        ],
        compiler_params=pltpu.CompilerParams(needs_layout_passes=False),
    )
    def chosen_score(hv_hbm, denc_hbm, w_hbm, out_hbm,
                     denc_v, didx_v, sidx_v, eidx_v, drows_v, srows_v,
                     wrows_v, out_v, sem0, sem1, sem2):
        wid = lax.axis_index("s") * _NUM_CORES + lax.axis_index("c")

        @pl.when(wid < n_tiles)
        def _():
            pltpu.sync_copy(denc_hbm, denc_v)
            lanes = lax.iota(jnp.int32, L)
            denc = denc_v[pl.ds(wid * L, L)]
            base = (wid * L + lanes) * N
            didx_v[...] = base + (denc >> 2)
            sidx_v[...] = base + (N - 1)
            eidx_v[...] = denc & (E_ - 1)
            cp0 = pltpu.async_copy(hv_hbm.at[didx_v], drows_v, sem0)
            cp1 = pltpu.async_copy(hv_hbm.at[sidx_v], srows_v, sem1)
            cp2 = pltpu.async_copy(w_hbm.at[eidx_v], wrows_v, sem2)
            cp0.wait()
            cp1.wait()
            cp2.wait()

            def body(k, accs):
                acc = accs
                for u in range(4):
                    kk = k * 4 + u
                    col = jnp.full((L,), kk, jnp.int32)
                    dcol = plsc.load_gather(drows_v, [lanes, col])
                    scol = plsc.load_gather(srows_v, [lanes, col])
                    wd = plsc.load_gather(wrows_v, [lanes, col])
                    ws = plsc.load_gather(wrows_v, [lanes, col + D])
                    acc = acc + dcol * wd + scol * ws
                return acc

            acc = lax.fori_loop(0, D // 4, body, jnp.zeros((L,), jnp.float32))
            out_v[pl.ds(0, L)] = acc + plsc.load_gather(
                wrows_v, [lanes, jnp.full((L,), 2 * D, jnp.int32)])
            pltpu.sync_copy(out_v, out_hbm.at[wid])

    out = chosen_score(hv.reshape(B * N, D), d_enc, w_aug)
    return out[:, :L].reshape(B, 1)


def kernel(hv, d_enc, W, b):
    B, N, D = hv.shape
    n_dests = N - 1
    sc_score = _chosen_score_sc(hv, d_enc, W, b)
    lp, lse = pl.pallas_call(
        _tc_body,
        grid=(B,),
        in_specs=[
            pl.BlockSpec((1, N, D), lambda i: (i, 0, 0)),
            pl.BlockSpec((E_, 2 * D), lambda i: (0, 0)),
            pl.BlockSpec((E_, 1), lambda i: (0, 0)),
        ],
        out_specs=[
            pl.BlockSpec((1, E_, n_dests), lambda i: (i, 0, 0)),
            pl.BlockSpec((1, 1, 1), lambda i: (i, 0, 0),
                         memory_space=pltpu.SMEM),
        ],
        out_shape=[
            jax.ShapeDtypeStruct((B, E_, n_dests), jnp.float32),
            jax.ShapeDtypeStruct((B, 1, 1), jnp.float32),
        ],
        compiler_params=pltpu.CompilerParams(skip_device_barrier=True,
                                             vmem_limit_bytes=16 * 1024 * 1024),
    )(hv, W, b[:, None])
    lp_flat = lp.transpose(0, 2, 1).reshape(B, n_dests * E_)
    chosen = sc_score - lse.reshape(B, 1)
    return lp_flat, chosen

# --- scband reference (transcript-rebuilt; emitter-appended) ---
"""Pipeline reference for scband-choose-dest-and-update-15083925143990 (READ-ONLY COPY).

The authoritative reference and input builder live on the scoring server;
editing this copy changes nothing except your own understanding.
"""

import jax, jax.numpy as jnp
import numpy as np

NODE_HIDDEN = 128
NUM_EDGE_TYPES = 4
B = 64
N = 4096


def setup_inputs(seed: int = 0) -> dict:
    key = jax.random.key(seed)
    k1, k2, k3 = jax.random.split(key, 3)
    # Node hidden states 'hv' for a batch of B graphs, each with N nodes.
    # src is the latest node (index N-1); possible dests are nodes 0..N-2.
    hv = jax.random.normal(k1, (B, N, NODE_HIDDEN), dtype=jnp.float32)
    # Encoded destination+edge-type: d_enc = dest_idx * num_edge_types + edge_type
    d_enc = jax.random.randint(k2, (B,), 0, (N - 1) * NUM_EDGE_TYPES, dtype=jnp.int32)
    # choose_dest linear layer params: Linear(2*node_hidden_size -> num_edge_types)
    W = jax.random.normal(k3, (NUM_EDGE_TYPES, 2 * NODE_HIDDEN), dtype=jnp.float32) / jnp.sqrt(2.0 * NODE_HIDDEN)
    b = jnp.zeros((NUM_EDGE_TYPES,), dtype=jnp.float32)
    return {"hv": hv, "d_enc": d_enc, "W": W, "b": b}


def reference(hv, d_enc, W, b):
    # Tensorized, batched version of ChooseDestAndUpdate.forward (training path):
    # for each graph: src = last node, possible_dests = all earlier nodes.
    Bn, Nn, dm = hv.shape
    src_embed = hv[:, -1, :]                               # [B, d]
    possible_dests_embed = hv[:, :-1, :]                   # [B, N-1, d]
    src_embed_expand = jnp.broadcast_to(src_embed[:, None, :], (Bn, Nn - 1, dm))
    cat = jnp.concatenate([possible_dests_embed, src_embed_expand], axis=-1)  # [B, N-1, 2d]
    # dropout_prob = 0.0 -> identity
    dests_scores = jnp.einsum('bnd,ed->bne', cat, W) + b   # [B, N-1, E]
    flat_scores = dests_scores.reshape(Bn, (Nn - 1) * NUM_EDGE_TYPES)  # view(1, -1) per graph
    dests_log_probs = jax.nn.log_softmax(flat_scores, axis=1)
    # training: record log P of the taken action d_enc (dest_enc:dest_enc+1 slice)
    chosen_log_prob = jnp.take_along_axis(dests_log_probs, d_enc[:, None].astype(jnp.int32), axis=1)  # [B, 1]
    return dests_log_probs, chosen_log_prob

if __name__ == "__main__":
    import jax
    _d = setup_inputs()
    print(jax.jit(kernel)(*tuple(_d.values())))

</pallas_src>

<mosaic_0001>
#map = affine_map<(d0, d1) -> (0, 0)>
#map1 = affine_map<(d0, d1) -> (0)>
module attributes {stable_mosaic.version = 14 : i64} {
  func.func @chosen_score(%arg0: i32, %arg1: i32, %arg2: memref<262144x128xf32, #tpu.memory_space<hbm>>, %arg3: memref<64xi32, #tpu.memory_space<hbm>>, %arg4: memref<4x384xf32, #tpu.memory_space<hbm>>, %arg5: memref<4x128xf32, #tpu.memory_space<hbm>>, %arg6: memref<64xi32, #tpu.memory_space<vmem>>, %arg7: memref<16xi32, #tpu.memory_space<vmem>>, %arg8: memref<16xi32, #tpu.memory_space<vmem>>, %arg9: memref<16xi32, #tpu.memory_space<vmem>>, %arg10: memref<16x128xf32, #tpu.memory_space<vmem>>, %arg11: memref<16x128xf32, #tpu.memory_space<vmem>>, %arg12: memref<16x384xf32, #tpu.memory_space<vmem>>, %arg13: memref<128xf32, #tpu.memory_space<vmem>>, %arg14: memref<!tpu.dma_semaphore, #tpu.memory_space<semaphore_mem>>, %arg15: memref<!tpu.dma_semaphore, #tpu.memory_space<semaphore_mem>>, %arg16: memref<!tpu.dma_semaphore, #tpu.memory_space<semaphore_mem>>) attributes {dimension_semantics = [#tpu.dimension_semantics<core_parallel>, #tpu.dimension_semantics<subcore_parallel>], iteration_bounds = array<i64: 2, 16>, scalar_prefetch = 0 : i64, scratch_operands = 11 : i64, tpu.core_type = #tpu.core_type<sc_vector_subcore>, window_params = [{transform_indices = #map}, {transform_indices = #map1}, {transform_indices = #map}, {transform_indices = #map}]} {
    %mul3A = arith.constant 2 : i32
    %mul3A_0 = arith.muli %arg1, %mul3A : i32
    %add3A = arith.addi %mul3A_0, %arg0 : i32
    %lt3A = arith.constant 4 : i32
    %lt3A_1 = arith.cmpi slt, %add3A, %lt3A : i32
    %convert_element_type3A = arith.extui %lt3A_1 : i1 to i32
    %cond3A = arith.constant 0 : i32
    %cond3A_2 = arith.cmpi ne, %convert_element_type3A, %cond3A : i32
    scf.if %cond3A_2 {
      "tpu.region"() ({
        %run_scoped3A = tpu.sem_alloc : memref<!tpu.dma_semaphore, #tpu.memory_space<semaphore_mem>>
        tpu.enqueue_dma source(%arg3 : memref<64xi32, #tpu.memory_space<hbm>>) target(%arg6 : memref<64xi32, #tpu.memory_space<vmem>>) target_semaphore(%run_scoped3A : memref<!tpu.dma_semaphore, #tpu.memory_space<semaphore_mem>>)
        tpu.wait_dma2 semaphore(%run_scoped3A : memref<!tpu.dma_semaphore, #tpu.memory_space<semaphore_mem>>) src(%arg3 : memref<64xi32, #tpu.memory_space<hbm>>) dst(%arg6 : memref<64xi32, #tpu.memory_space<vmem>>)
        tpu.yield
      }) : () -> ()
      %iota3A = tpu.iota {dimensions = array<i32: 0>} : vector<16xi32>
      %mul3A_3 = arith.constant 16 : i32
      %mul3A_4 = arith.muli %add3A, %mul3A_3 : i32
      %get3A = arith.index_cast %mul3A_4 : i32 to index
      %get3A_5 = tpu.vector_load %arg6[%get3A] {strides = array<i32>} : memref<64xi32, #tpu.memory_space<vmem>>, vector<16xi32>,
      %mul3A_6 = arith.constant 16 : i32
      %mul3A_7 = arith.muli %add3A, %mul3A_6 : i32
      %add3A_8 = vector.broadcast %mul3A_7 : i32 to vector<16xi32>
      %add3A_9 = arith.addi %add3A_8, %iota3A : vector<16xi32>
      %mul3A_10 = arith.constant 4096 : i32
      %mul3A_11 = vector.broadcast %mul3A_10 : i32 to vector<16xi32>
      %mul3A_12 = arith.muli %add3A_9, %mul3A_11 : vector<16xi32>
      %shift_right_arithmetic3A = arith.constant 2 : i32
      %shift_right_arithmetic3A_13 = vector.broadcast %shift_right_arithmetic3A : i32 to vector<16xi32>
      %shift_right_arithmetic3A_14 = arith.shrsi %get3A_5, %shift_right_arithmetic3A_13 : vector<16xi32>
      %add3A_15 = arith.addi %mul3A_12, %shift_right_arithmetic3A_14 : vector<16xi32>
      %swap3A = arith.constant 0 : index
      %swap3A_16 = tpu.vector_load %arg7[%swap3A] {strides = array<i32>} : memref<16xi32, #tpu.memory_space<vmem>>, vector<16xi32>,
      tpu.vector_store %arg7[%swap3A], %add3A_15 {strides = array<i32>} : memref<16xi32, #tpu.memory_space<vmem>>, vector<16xi32>,
      %add3A_17 = arith.constant 4095 : i32
      %add3A_18 = vector.broadcast %add3A_17 : i32 to vector<16xi32>
      %add3A_19 = arith.addi %mul3A_12, %add3A_18 : vector<16xi32>
      %swap3A_20 = arith.constant 0 : index
      %swap3A_21 = tpu.vector_load %arg8[%swap3A_20] {strides = array<i32>} : memref<16xi32, #tpu.memory_space<vmem>>, vector<16xi32>,
      tpu.vector_store %arg8[%swap3A_20], %add3A_19 {strides = array<i32>} : memref<16xi32, #tpu.memory_space<vmem>>, vector<16xi32>,
      %and3A = arith.constant 3 : i32
      %and3A_22 = vector.broadcast %and3A : i32 to vector<16xi32>
      %and3A_23 = arith.andi %get3A_5, %and3A_22 : vector<16xi32>
      %swap3A_24 = arith.constant 0 : index
      %swap3A_25 = tpu.vector_load %arg9[%swap3A_24] {strides = array<i32>} : memref<16xi32, #tpu.memory_space<vmem>>, vector<16xi32>,
      tpu.vector_store %arg9[%swap3A_24], %and3A_23 {strides = array<i32>} : memref<16xi32, #tpu.memory_space<vmem>>, vector<16xi32>,
      %dma_start3A = arith.constant 0 : i32
      %dma_start3A_26 = arith.constant 0 : i32
      %dma_start3A_27 = tpu.memref_slice %arg2[%dma_start3A, %dma_start3A_26] : memref<262144x128xf32, #tpu.memory_space<hbm>> -> memref<262144x128xf32, #tpu.memory_space<hbm>>
      tpu.enqueue_indirect_dma source(%dma_start3A_27 : memref<262144x128xf32, #tpu.memory_space<hbm>>) target(%arg10 : memref<16x128xf32, #tpu.memory_space<vmem>>) offsets(%arg7 : memref<16xi32, #tpu.memory_space<vmem>>) semaphore(%arg14 : memref<!tpu.dma_semaphore, #tpu.memory_space<semaphore_mem>>)
      %dma_start3A_28 = arith.constant 0 : i32
      %dma_start3A_29 = arith.constant 0 : i32
      %dma_start3A_30 = tpu.memref_slice %arg2[%dma_start3A_28, %dma_start3A_29] : memref<262144x128xf32, #tpu.memory_space<hbm>> -> memref<262144x128xf32, #tpu.memory_space<hbm>>
      tpu.enqueue_indirect_dma source(%dma_start3A_30 : memref<262144x128xf32, #tpu.memory_space<hbm>>) target(%arg11 : memref<16x128xf32, #tpu.memory_space<vmem>>) offsets(%arg8 : memref<16xi32, #tpu.memory_space<vmem>>) semaphore(%arg15 : memref<!tpu.dma_semaphore, #tpu.memory_space<semaphore_mem>>)
      %dma_start3A_31 = arith.constant 0 : i32
      %dma_start3A_32 = arith.constant 0 : i32
      %dma_start3A_33 = tpu.memref_slice %arg4[%dma_start3A_31, %dma_start3A_32] : memref<4x384xf32, #tpu.memory_space<hbm>> -> memref<4x384xf32, #tpu.memory_space<hbm>>
      tpu.enqueue_indirect_dma source(%dma_start3A_33 : memref<4x384xf32, #tpu.memory_space<hbm>>) target(%arg12 : memref<16x384xf32, #tpu.memory_space<vmem>>) offsets(%arg9 : memref<16xi32, #tpu.memory_space<vmem>>) semaphore(%arg16 : memref<!tpu.dma_semaphore, #tpu.memory_space<semaphore_mem>>)
      %dma_wait3A = arith.constant 0 : i32
      %dma_wait3A_34 = arith.constant 0 : i32
      %dma_wait3A_35 = tpu.memref_slice %arg2[%dma_wait3A, %dma_wait3A_34] : memref<262144x128xf32, #tpu.memory_space<hbm>> -> memref<262144x128xf32, #tpu.memory_space<hbm>>
      tpu.wait_indirect_dma semaphore(%arg14 : memref<!tpu.dma_semaphore, #tpu.memory_space<semaphore_mem>>) src(%dma_wait3A_35 : memref<262144x128xf32, #tpu.memory_space<hbm>>) dst(%arg10 : memref<16x128xf32, #tpu.memory_space<vmem>>)
      %dma_wait3A_36 = arith.constant 0 : i32
      %dma_wait3A_37 = arith.constant 0 : i32
      %dma_wait3A_38 = tpu.memref_slice %arg2[%dma_wait3A_36, %dma_wait3A_37] : memref<262144x128xf32, #tpu.memory_space<hbm>> -> memref<262144x128xf32, #tpu.memory_space<hbm>>
      tpu.wait_indirect_dma semaphore(%arg15 : memref<!tpu.dma_semaphore, #tpu.memory_space<semaphore_mem>>) src(%dma_wait3A_38 : memref<262144x128xf32, #tpu.memory_space<hbm>>) dst(%arg11 : memref<16x128xf32, #tpu.memory_space<vmem>>)
      %dma_wait3A_39 = arith.constant 0 : i32
      %dma_wait3A_40 = arith.constant 0 : i32
      %dma_wait3A_41 = tpu.memref_slice %arg4[%dma_wait3A_39, %dma_wait3A_40] : memref<4x384xf32, #tpu.memory_space<hbm>> -> memref<4x384xf32, #tpu.memory_space<hbm>>
      tpu.wait_indirect_dma semaphore(%arg16 : memref<!tpu.dma_semaphore, #tpu.memory_space<semaphore_mem>>) src(%dma_wait3A_41 : memref<4x384xf32, #tpu.memory_space<hbm>>) dst(%arg12 : memref<16x384xf32, #tpu.memory_space<vmem>>)
      %broadcast_in_dim3A = arith.constant 0.000000e+00 : f32
      %broadcast_in_dim3A_42 = vector.broadcast %broadcast_in_dim3A : f32 to vector<16xf32>
      %scan3A = arith.constant 0 : i32
      %scan3A_43 = arith.constant 32 : i32
      %scan3A_44 = arith.addi %scan3A, %scan3A_43 : i32
      %scan3A_45 = arith.constant 1 : i32
      %scan3A_46 = scf.for %scan3A_53 = %scan3A to %scan3A_44 step %scan3A_45 iter_args(%scan3A_54 = %broadcast_in_dim3A_42) -> (vector<16xf32>)  : i32 {
        %mul3A_55 = arith.constant 4 : i32
        %mul3A_56 = arith.muli %scan3A_53, %mul3A_55 : i32
        %add3A_57 = arith.constant 0 : i32
        %add3A_58 = arith.addi %mul3A_56, %add3A_57 : i32
        %broadcast_in_dim3A_59 = vector.broadcast %add3A_58 : i32 to vector<16xi32>
        %gather3A_60 = tpu.vector_load_idx %arg10[%iota3A, %broadcast_in_dim3A_59] : memref<16x128xf32, #tpu.memory_space<vmem>>[vector<16xi32>, vector<16xi32>], vector<16xf32>,
        %gather3A_61 = tpu.vector_load_idx %arg11[%iota3A, %broadcast_in_dim3A_59] : memref<16x128xf32, #tpu.memory_space<vmem>>[vector<16xi32>, vector<16xi32>], vector<16xf32>,
        %gather3A_62 = tpu.vector_load_idx %arg12[%iota3A, %broadcast_in_dim3A_59] : memref<16x384xf32, #tpu.memory_space<vmem>>[vector<16xi32>, vector<16xi32>], vector<16xf32>,
        %add3A_63 = arith.constant 128 : i32
        %add3A_64 = vector.broadcast %add3A_63 : i32 to vector<16xi32>
        %add3A_65 = arith.addi %broadcast_in_dim3A_59, %add3A_64 : vector<16xi32>
        %gather3A_66 = tpu.vector_load_idx %arg12[%iota3A, %add3A_65] : memref<16x384xf32, #tpu.memory_space<vmem>>[vector<16xi32>, vector<16xi32>], vector<16xf32>,
        %mul3A_67 = arith.mulf %gather3A_60, %gather3A_62 : vector<16xf32>
        %add3A_68 = arith.addf %scan3A_54, %mul3A_67 : vector<16xf32>
        %mul3A_69 = arith.mulf %gather3A_61, %gather3A_66 : vector<16xf32>
        %add3A_70 = arith.addf %add3A_68, %mul3A_69 : vector<16xf32>
        %mul3A_71 = arith.constant 4 : i32
        %mul3A_72 = arith.muli %scan3A_53, %mul3A_71 : i32
        %add3A_73 = arith.constant 1 : i32
        %add3A_74 = arith.addi %mul3A_72, %add3A_73 : i32
        %broadcast_in_dim3A_75 = vector.broadcast %add3A_74 : i32 to vector<16xi32>
        %gather3A_76 = tpu.vector_load_idx %arg10[%iota3A, %broadcast_in_dim3A_75] : memref<16x128xf32, #tpu.memory_space<vmem>>[vector<16xi32>, vector<16xi32>], vector<16xf32>,
        %gather3A_77 = tpu.vector_load_idx %arg11[%iota3A, %broadcast_in_dim3A_75] : memref<16x128xf32, #tpu.memory_space<vmem>>[vector<16xi32>, vector<16xi32>], vector<16xf32>,
        %gather3A_78 = tpu.vector_load_idx %arg12[%iota3A, %broadcast_in_dim3A_75] : memref<16x384xf32, #tpu.memory_space<vmem>>[vector<16xi32>, vector<16xi32>], vector<16xf32>,
        %add3A_79 = arith.constant 128 : i32
        %add3A_80 = vector.broadcast %add3A_79 : i32 to vector<16xi32>
        %add3A_81 = arith.addi %broadcast_in_dim3A_75, %add3A_80 : vector<16xi32>
        %gather3A_82 = tpu.vector_load_idx %arg12[%iota3A, %add3A_81] : memref<16x384xf32, #tpu.memory_space<vmem>>[vector<16xi32>, vector<16xi32>], vector<16xf32>,
        %mul3A_83 = arith.mulf %gather3A_76, %gather3A_78 : vector<16xf32>
        %add3A_84 = arith.addf %add3A_70, %mul3A_83 : vector<16xf32>
        %mul3A_85 = arith.mulf %gather3A_77, %gather3A_82 : vector<16xf32>
        %add3A_86 = arith.addf %add3A_84, %mul3A_85 : vector<16xf32>
        %mul3A_87 = arith.constant 4 : i32
        %mul3A_88 = arith.muli %scan3A_53, %mul3A_87 : i32
        %add3A_89 = arith.constant 2 : i32
        %add3A_90 = arith.addi %mul3A_88, %add3A_89 : i32
        %broadcast_in_dim3A_91 = vector.broadcast %add3A_90 : i32 to vector<16xi32>
        %gather3A_92 = tpu.vector_load_idx %arg10[%iota3A, %broadcast_in_dim3A_91] : memref<16x128xf32, #tpu.memory_space<vmem>>[vector<16xi32>, vector<16xi32>], vector<16xf32>,
        %gather3A_93 = tpu.vector_load_idx %arg11[%iota3A, %broadcast_in_dim3A_91] : memref<16x128xf32, #tpu.memory_space<vmem>>[vector<16xi32>, vector<16xi32>], vector<16xf32>,
        %gather3A_94 = tpu.vector_load_idx %arg12[%iota3A, %broadcast_in_dim3A_91] : memref<16x384xf32, #tpu.memory_space<vmem>>[vector<16xi32>, vector<16xi32>], vector<16xf32>,
        %add3A_95 = arith.constant 128 : i32
        %add3A_96 = vector.broadcast %add3A_95 : i32 to vector<16xi32>
        %add3A_97 = arith.addi %broadcast_in_dim3A_91, %add3A_96 : vector<16xi32>
        %gather3A_98 = tpu.vector_load_idx %arg12[%iota3A, %add3A_97] : memref<16x384xf32, #tpu.memory_space<vmem>>[vector<16xi32>, vector<16xi32>], vector<16xf32>,
        %mul3A_99 = arith.mulf %gather3A_92, %gather3A_94 : vector<16xf32>
        %add3A_100 = arith.addf %add3A_86, %mul3A_99 : vector<16xf32>
        %mul3A_101 = arith.mulf %gather3A_93, %gather3A_98 : vector<16xf32>
        %add3A_102 = arith.addf %add3A_100, %mul3A_101 : vector<16xf32>
        %mul3A_103 = arith.constant 4 : i32
        %mul3A_104 = arith.muli %scan3A_53, %mul3A_103 : i32
        %add3A_105 = arith.constant 3 : i32
        %add3A_106 = arith.addi %mul3A_104, %add3A_105 : i32
        %broadcast_in_dim3A_107 = vector.broadcast %add3A_106 : i32 to vector<16xi32>
        %gather3A_108 = tpu.vector_load_idx %arg10[%iota3A, %broadcast_in_dim3A_107] : memref<16x128xf32, #tpu.memory_space<vmem>>[vector<16xi32>, vector<16xi32>], vector<16xf32>,
        %gather3A_109 = tpu.vector_load_idx %arg11[%iota3A, %broadcast_in_dim3A_107] : memref<16x128xf32, #tpu.memory_space<vmem>>[vector<16xi32>, vector<16xi32>], vector<16xf32>,
        %gather3A_110 = tpu.vector_load_idx %arg12[%iota3A, %broadcast_in_dim3A_107] : memref<16x384xf32, #tpu.memory_space<vmem>>[vector<16xi32>, vector<16xi32>], vector<16xf32>,
        %add3A_111 = arith.constant 128 : i32
        %add3A_112 = vector.broadcast %add3A_111 : i32 to vector<16xi32>
        %add3A_113 = arith.addi %broadcast_in_dim3A_107, %add3A_112 : vector<16xi32>
        %gather3A_114 = tpu.vector_load_idx %arg12[%iota3A, %add3A_113] : memref<16x384xf32, #tpu.memory_space<vmem>>[vector<16xi32>, vector<16xi32>], vector<16xf32>,
        %mul3A_115 = arith.mulf %gather3A_108, %gather3A_110 : vector<16xf32>
        %add3A_116 = arith.addf %add3A_102, %mul3A_115 : vector<16xf32>
        %mul3A_117 = arith.mulf %gather3A_109, %gather3A_114 : vector<16xf32>
        %add3A_118 = arith.addf %add3A_116, %mul3A_117 : vector<16xf32>
        scf.yield %add3A_118 : vector<16xf32>
      }
      %scan3A_47 = arith.constant 32 : i32
      %broadcast_in_dim3A_48 = arith.constant 256 : i32
      %broadcast_in_dim3A_49 = vector.broadcast %broadcast_in_dim3A_48 : i32 to vector<16xi32>
      %gather3A = tpu.vector_load_idx %arg12[%iota3A, %broadcast_in_dim3A_49] : memref<16x384xf32, #tpu.memory_space<vmem>>[vector<16xi32>, vector<16xi32>], vector<16xf32>,
      %add3A_50 = arith.addf %scan3A_46, %gather3A : vector<16xf32>
      %swap3A_51 = arith.constant 0 : index
      %swap3A_52 = tpu.vector_load %arg13[%swap3A_51] {strides = array<i32>} : memref<128xf32, #tpu.memory_space<vmem>>, vector<16xf32>,
      tpu.vector_store %arg13[%swap3A_51], %add3A_50 {strides = array<i32>} : memref<128xf32, #tpu.memory_space<vmem>>, vector<16xf32>,
      "tpu.region"() ({
        %run_scoped3A = tpu.sem_alloc : memref<!tpu.dma_semaphore, #tpu.memory_space<semaphore_mem>>
        %dma_start3A_53 = arith.constant 0 : i32
        %dma_start3A_54 = tpu.memref_slice %arg5[%add3A, %dma_start3A_53] : memref<4x128xf32, #tpu.memory_space<hbm>> -> memref<1x128xf32, #tpu.memory_space<hbm>>
        %dma_start3A_55 = tpu.memref_squeeze %dma_start3A_54 : memref<1x128xf32, #tpu.memory_space<hbm>> -> memref<128xf32, #tpu.memory_space<hbm>>
        %dma_start3A_56 = arith.constant 0 : i32
        %dma_start3A_57 = tpu.memref_slice %arg5[%add3A, %dma_start3A_56] : memref<4x128xf32, #tpu.memory_space<hbm>> -> memref<1x128xf32, #tpu.memory_space<hbm>>
        %dma_start3A_58 = tpu.memref_squeeze %dma_start3A_57 : memref<1x128xf32, #tpu.memory_space<hbm>> -> memref<128xf32, #tpu.memory_space<hbm>>
        tpu.enqueue_dma source(%arg13 : memref<128xf32, #tpu.memory_space<vmem>>) target(%dma_start3A_58 : memref<128xf32, #tpu.memory_space<hbm>>) target_semaphore(%run_scoped3A : memref<!tpu.dma_semaphore, #tpu.memory_space<semaphore_mem>>)
        %dma_wait3A_59 = arith.constant 0 : i32
        %dma_wait3A_60 = tpu.memref_slice %arg5[%add3A, %dma_wait3A_59] : memref<4x128xf32, #tpu.memory_space<hbm>> -> memref<1x128xf32, #tpu.memory_space<hbm>>
        %dma_wait3A_61 = tpu.memref_squeeze %dma_wait3A_60 : memref<1x128xf32, #tpu.memory_space<hbm>> -> memref<128xf32, #tpu.memory_space<hbm>>
        %dma_wait3A_62 = arith.constant 0 : i32
        %dma_wait3A_63 = tpu.memref_slice %arg5[%add3A, %dma_wait3A_62] : memref<4x128xf32, #tpu.memory_space<hbm>> -> memref<1x128xf32, #tpu.memory_space<hbm>>
        %dma_wait3A_64 = tpu.memref_squeeze %dma_wait3A_63 : memref<1x128xf32, #tpu.memory_space<hbm>> -> memref<128xf32, #tpu.memory_space<hbm>>
        tpu.wait_dma2 semaphore(%run_scoped3A : memref<!tpu.dma_semaphore, #tpu.memory_space<semaphore_mem>>) src(%arg13 : memref<128xf32, #tpu.memory_space<vmem>>) dst(%dma_wait3A_64 : memref<128xf32, #tpu.memory_space<hbm>>)
        tpu.yield
      }) : () -> ()
    } else {
    }
    return
  }
}

module attributes {stable_mosaic.version = 14 : i64} {
  func.func @_tc_body(%arg0: i32, %arg1: memref<1x4096x128xf32, #tpu.memory_space<vmem>>, %arg2: memref<4x256xf32, #tpu.memory_space<vmem>>, %arg3: memref<4x1xf32, #tpu.memory_space<vmem>>, %arg4: memref<1x4x4095xf32, #tpu.memory_space<vmem>>, %arg5: memref<1x1x1xf32, #tpu.memory_space<smem>>) attributes {dimension_semantics = [#tpu.dimension_semantics<arbitrary>], iteration_bounds = array<i64: 64>, scalar_prefetch = 0 : i64, scratch_operands = 0 : i64, tpu.core_type = #tpu.core_type<tc>, window_params = [{transform_indices = @transform_0, window_bounds = array<i64: 1, 4096, 128>}, {pipeline_mode = #tpu.pipeline_mode<synchronous>, transform_indices = @transform_1, window_bounds = array<i64: 4, 256>}, {pipeline_mode = #tpu.pipeline_mode<synchronous>, transform_indices = @transform_2, window_bounds = array<i64: 4, 1>}, {transform_indices = @transform_3, window_bounds = array<i64: 1, 4, 4095>}, {transform_indices = @transform_4, window_bounds = array<i64: 1, 1, 1>}]} {
    %get3A = arith.constant 0 : index
    %get3A_0 = arith.constant 0 : index
    %get3A_1 = arith.constant 0 : index
    %get3A_2 = vector.load %arg1[%get3A, %get3A_0, %get3A_1] : memref<1x4096x128xf32, #tpu.memory_space<vmem>>, vector<1x4096x128xf32>
    %get3A_3 = vector.shape_cast %get3A_2 : vector<1x4096x128xf32> to vector<4096x128xf32>
    %slice3A = vector.extract_strided_slice %get3A_3 {offsets = [0, 0], sizes = [4095, 128], strides = [1, 1]} : vector<4096x128xf32> to vector<4095x128xf32>
    %slice3A_4 = vector.extract_strided_slice %get3A_3 {offsets = [4095, 0], sizes = [1, 128], strides = [1, 1]} : vector<4096x128xf32> to vector<1x128xf32>
    %get3A_5 = arith.constant 0 : index
    %get3A_6 = arith.constant 0 : index
    %get3A_7 = vector.load %arg2[%get3A_5, %get3A_6] : memref<4x256xf32, #tpu.memory_space<vmem>>, vector<4x256xf32>
    %slice3A_8 = vector.extract_strided_slice %get3A_7 {offsets = [0, 0], sizes = [4, 128], strides = [1, 1]} : vector<4x256xf32> to vector<4x128xf32>
    %slice3A_9 = vector.extract_strided_slice %get3A_7 {offsets = [0, 128], sizes = [4, 128], strides = [1, 1]} : vector<4x256xf32> to vector<4x128xf32>
    %dot_general3A = arith.constant dense<0.000000e+00> : vector<4x4095xf32>
    %dot_general3A_10 = tpu.matmul %slice3A_8, %slice3A, %dot_general3A {dimension_numbers = #tpu.dot_dimension_numbers<[1], [1], [0], [0], [0, 0, 1, 0], [], []>, transpose_lhs_hint = false} : vector<4x128xf32>, vector<4095x128xf32>, vector<4x4095xf32> -> vector<4x4095xf32>
    %dot_general3A_11 = arith.constant dense<0.000000e+00> : vector<4x1xf32>
    %dot_general3A_12 = tpu.matmul %slice3A_9, %slice3A_4, %dot_general3A_11 {dimension_numbers = #tpu.dot_dimension_numbers<[1], [1], [0], [0], [0, 0, 1, 0], [], []>, transpose_lhs_hint = false} : vector<4x128xf32>, vector<1x128xf32>, vector<4x1xf32> -> vector<4x1xf32>
    %add3A = vector.broadcast %dot_general3A_12 : vector<4x1xf32> to vector<4x4095xf32>
    %add3A_13 = arith.addf %dot_general3A_10, %add3A : vector<4x4095xf32>
    %get3A_14 = arith.constant 0 : index
    %get3A_15 = arith.constant 0 : index
    %get3A_16 = vector.load %arg3[%get3A_14, %get3A_15] : memref<4x1xf32, #tpu.memory_space<vmem>>, vector<4x1xf32>
    %add3A_17 = vector.broadcast %get3A_16 : vector<4x1xf32> to vector<4x4095xf32>
    %add3A_18 = arith.addf %add3A_13, %add3A_17 : vector<4x4095xf32>
    %reduce_max3A = vector.shape_cast %add3A_18 : vector<4x4095xf32> to vector<1x4x4095xf32>
    %reduce_max3A_19 = arith.constant dense<0xFF800000> : vector<1xf32>
    %reduce_max3A_20 = vector.multi_reduction <maximumf>, %reduce_max3A, %reduce_max3A_19 [1, 2] : vector<1x4x4095xf32> to vector<1xf32>
    %reduce_max3A_21 = vector.shape_cast %reduce_max3A_20 : vector<1xf32> to vector<1x1x1xf32>
    %reduce_max3A_22 = vector.extract %reduce_max3A_21[0, 0, 0] : f32 from vector<1x1x1xf32>
    %sub3A = vector.broadcast %reduce_max3A_22 : f32 to vector<4x4095xf32>
    %sub3A_23 = arith.subf %add3A_18, %sub3A : vector<4x4095xf32>
    %exp3A = math.exp %sub3A_23 : vector<4x4095xf32>
    %reduce_sum3A = vector.shape_cast %exp3A : vector<4x4095xf32> to vector<1x4x4095xf32>
    %reduce_sum3A_24 = arith.constant dense<0.000000e+00> : vector<1xf32>
    %reduce_sum3A_25 = vector.multi_reduction <add>, %reduce_sum3A, %reduce_sum3A_24 [1, 2] : vector<1x4x4095xf32> to vector<1xf32>
    %reduce_sum3A_26 = vector.shape_cast %reduce_sum3A_25 : vector<1xf32> to vector<1x1x1xf32>
    %reduce_sum3A_27 = vector.extract %reduce_sum3A_26[0, 0, 0] : f32 from vector<1x1x1xf32>
    %log3A = math.log %reduce_sum3A_27 : f32
    %add3A_28 = arith.addf %reduce_max3A_22, %log3A : f32
    %sub3A_29 = vector.broadcast %add3A_28 : f32 to vector<4x4095xf32>
    %sub3A_30 = arith.subf %add3A_18, %sub3A_29 : vector<4x4095xf32>
    %swap3A = arith.constant 0 : index
    %swap3A_31 = arith.constant 0 : index
    %swap3A_32 = arith.constant 0 : index
    %swap3A_33 = vector.load %arg4[%swap3A, %swap3A_31, %swap3A_32] : memref<1x4x4095xf32, #tpu.memory_space<vmem>>, vector<1x4x4095xf32>
    %swap3A_34 = vector.shape_cast %swap3A_33 : vector<1x4x4095xf32> to vector<4x4095xf32>
    %swap3A_35 = vector.shape_cast %sub3A_30 : vector<4x4095xf32> to vector<1x4x4095xf32>
    tpu.vector_store %arg4[%swap3A, %swap3A_31, %swap3A_32], %swap3A_35 {strides = array<i32>} : memref<1x4x4095xf32, #tpu.memory_space<vmem>>, vector<1x4x4095xf32>,
    %swap3A_36 = arith.constant 0 : index
    %swap3A_37 = arith.constant 0 : index
    %swap3A_38 = arith.constant 0 : index
    %swap3A_39 = memref.load %arg5[%swap3A_36, %swap3A_37, %swap3A_38] : memref<1x1x1xf32, #tpu.memory_space<smem>>
    memref.store %add3A_28, %arg5[%swap3A_36, %swap3A_37, %swap3A_38] : memref<1x1x1xf32, #tpu.memory_space<smem>>
    return
  }
  func.func @transform_0(%arg0: i32) -> (i32, i32, i32) {
    %c0_i32 = arith.constant 0 : i32
    %c0_i32_0 = arith.constant 0 : i32
    %c0_i32_1 = arith.constant 0 : i32
    return %arg0, %c0_i32, %c0_i32_0 : i32, i32, i32
  }
  func.func @transform_1(%arg0: i32) -> (i32, i32) {
    %c0_i32 = arith.constant 0 : i32
    %c0_i32_0 = arith.constant 0 : i32
    %c0_i32_1 = arith.constant 0 : i32
    return %c0_i32, %c0_i32_0 : i32, i32
  }
  func.func @transform_2(%arg0: i32) -> (i32, i32) {
    %c0_i32 = arith.constant 0 : i32
    %c0_i32_0 = arith.constant 0 : i32
    %c0_i32_1 = arith.constant 0 : i32
    return %c0_i32, %c0_i32_0 : i32, i32
  }
  func.func @transform_3(%arg0: i32) -> (i32, i32, i32) {
    %c0_i32 = arith.constant 0 : i32
    %c0_i32_0 = arith.constant 0 : i32
    %c0_i32_1 = arith.constant 0 : i32
    return %arg0, %c0_i32, %c0_i32_0 : i32, i32, i32
  }
  func.func @transform_4(%arg0: i32) -> (i32, i32, i32) {
    %c0_i32 = arith.constant 0 : i32
    %c0_i32_0 = arith.constant 0 : i32
    %c0_i32_1 = arith.constant 0 : i32
    return %arg0, %c0_i32, %c0_i32_0 : i32, i32, i32
  }
}

</mosaic_0001>

<sc_bundles>
// kernel: kernel.4.cloned.1.call-start
scs
__scs_entry_jumppad:
0x0: {  	(pc) =	sbr.rel $0x88, $3  }
0x1: {  	(tag) =	ssettag $0x0;
	lr =	simm.s32 $0x1  }
0x2: {  	[smem:$0x3F9D] =	sst lr;
	_ =	strace $0xD0000000  }
0x3: {  	_ = 	snop  }
0x4: {  	_ = 	snop  }
0x5: {  	_ = 	snop  }
0x6: {  	_ = 	snop  }
0x7: {  	_ = 	snop  }
__scs_overlays_trampoline_lowered:
0x8: {  	[smem:$0x3FAC] =	sst s0  }
0x9: {  	[smem:$0x3FAD] =	sst s1  }
0xa: {  	[smem:$0x3FAE] =	sst s2  }
0xb: {  	[smem:$0x3FAF] =	sst s3  }
0xc: {  	[smem:$0x3FB0] =	sst s4  }
0xd: {  	[smem:$0x3FB1] =	sst s5  }
0xe: {  	[smem:$0x3FB2] =	sst s6  }
0xf: {  	[smem:$0x3FB3] =	sst s7  }
0x10: {  	[smem:$0x3FB4] =	sst s8  }
0x11: {  	[smem:$0x3FB5] =	sst s9;
	s0 =	simm.s32 @!p0 $0x0  }
0x12: {  	s1 =	sld [smem:$0x3F9B];
	s0 =	simm.s32 @p0 $0x1  }
0x13: {  	[smem:$0x3FB6] =	sst s0;
	s0 =	simm.s32 @!p1 $0x0  }
0x14: {  	s2 =	sld [smem:$0x3F9A];
	s0 =	simm.s32 @p1 $0x1  }
0x15: {  	[smem:$0x3FB7] =	sst s0;
	s0 =	simm.s32 @!p2 $0x0  }
0x16: {  	s3 =	sld [smem:$0x3FDB];
	s0 =	simm.s32 @p2 $0x1  }
0x17: {  	s4 =	simm.s32 $0x1BF5;
	[smem:$0x3FB9] =	sst s0  }
0x18: {  	s0 =	sld [smem:$0x3F9C];
	_ =	swait.ge [sflag:s4], $0x0  }
0x19: {  	s7 =	sld [smem:$0x3F9D]  }
0x1a: {  	s8 =	sadd.s32 $0xFFFFE003, lr  }
0x1b: {  	s9 =	sadd.s32 $0xFFFFFEF7, lr;
	s5 =	simm.s32 $0xFFFFFFFF;
	p2 =	slt.u32 s8, $0xFFFFF086  }
0x1c: {  	p1 =	slt.u32 s9, $0xF7A;
	s5 =	simm.s32 @!p2 $0x0  }
0x1d: {  	s5 =	simm.s32 @p1 $0x1;
	p0 =	seq.s32 s7, s2  }
0x1e: {  	s7 =	smul.u32 @!p0 $0xF7A, s2;
	p2 =	seq.s32 @!p0 s5, $0x0  }
0x1f: {  	s9 =	smul.u32 $0xF7A, s1;
	s8 =	simm.s32 @!p0 $0x1BF5;
	p2 =	por !p2, p0  }
0x20: {  	[sflag:s8] =	ssyncset.s32 @!p0 $0xFFFFF086;
	s6 =	sadd.s32 @!p0 s3, s7;
	s7 =	simm.s32 @!p0 $0x108  }
0x21: {  	s3 =	sadd.s32 s3, s9;
	s6 =	sadd.s32 @!p0 $0x88, s6;
	s7 =	simm.s32 @p2 $0x1082  }
0x22: {  	[simem:s7], [sflag:s8] =	dma.local @!p0 [hbm:s6], $0xF7A  }
0x23: {  	s9 =	sor.u32 $0xD0000000, s2;
	s6 =	simm.s32 $0x108;
	_ =	swait.ge @!p0 [sflag:s8], $0x0  }
0x24: {  	s3 =	sadd.s32 $0x88, s3;
	s6 =	simm.s32 @!p1 $0x1082;
	[sflag:s4] =	ssyncset.s32 $0xFFFFF086  }
0x25: {  	[simem:s6], [sflag:s4] =	dma.local [hbm:s3], $0xF7A  }
0x26: {  	[smem:$0x3F9D] =	sst s1;
	(tag) =	ssettag s2;
	_ =	strace s9  }
0x27: {  	s1 =	sld [smem:$0x3FAD]  }
0x28: {  	s2 =	sld [smem:$0x3FAE]  }
0x29: {  	s4 =	sld [smem:$0x3FB0]  }
0x2a: {  	p0 =	seq.s32 s5, $0x0;
	s5 =	sld [smem:$0x3FB1]  }
0x2b: {  	s6 =	sld [smem:$0x3FB2]  }
0x2c: {  	s7 =	sld [smem:$0x3FB3]  }
0x2d: {  	s3 =	simm.s32 $0x108;
	s8 =	sld [smem:$0x3FB4]  }
0x2e: {  	s3 =	simm.s32 @!p0 $0x1082;
	s9 =	sld [smem:$0x3FB5]  }
0x2f: {  	lr =	sadd.s32 s0, s3;
	s0 =	sld [smem:$0x3FAC]  }
0x30: {  	s3 =	sld [smem:$0x3FAF]  }
0x31: {  	[smem:$0x3FB8] =	sst s10  }
0x32: {  	s10 =	sld [smem:$0x3FB6];
	_ =	sdelay $0x3  }
0x33: {  	p0 =	seq.s32 s10, $0x1;
	s10 =	sld [smem:$0x3FB8];
	_ =	sdelay $0x3  }
0x34: {  	[smem:$0x3FB8] =	sst s10  }
0x35: {  	s10 =	sld [smem:$0x3FB7];
	_ =	sdelay $0x3  }
0x36: {  	p1 =	seq.s32 s10, $0x1;
	s10 =	sld [smem:$0x3FB8];
	_ =	sdelay $0x3  }
0x37: {  	[smem:$0x3FB8] =	sst s10  }
0x38: {  	s10 =	sld [smem:$0x3FB9]  }
0x39: {  	_ = 	snop;
	(pc) =	sbr.ind lr, $3  }
0x3a: {  	_ = 	snop  }
0x3b: {  	_ = 	snop  }
0x3c: {  	p2 =	seq.s32 s10, $0x1;
	s10 =	sld [smem:$0x3FB8]  }
0x3d: {  	_ =	shalt  }
0x3e: {  	_ =	shalt  }
0x3f: {  	_ =	shalt  }
0x40: {  	_ =	shalt  }
0x41: {  	_ =	shalt  }
0x42: {  	_ =	shalt  }
0x43: {  	_ =	shalt  }
0x44: {  	_ =	shalt  }
0x45: {  	_ =	shalt  }
0x46: {  	_ =	shalt  }
0x47: {  	_ =	shalt  }
0x48: {  	_ =	shalt  }
0x49: {  	_ =	shalt  }
0x4a: {  	_ =	shalt  }
0x4b: {  	_ =	shalt  }
0x4c: {  	_ =	shalt  }
0x4d: {  	_ =	shalt  }
0x4e: {  	_ =	shalt  }
0x4f: {  	_ =	shalt  }
0x50: {  	_ =	shalt  }
0x51: {  	_ =	shalt  }
0x52: {  	_ =	shalt  }
0x53: {  	_ =	shalt  }
0x54: {  	_ =	shalt  }
0x55: {  	_ =	shalt  }
0x56: {  	_ =	shalt  }
0x57: {  	_ =	shalt  }
0x58: {  	_ =	shalt  }
0x59: {  	_ =	shalt  }
0x5a: {  	_ =	shalt  }
0x5b: {  	_ =	shalt  }
0x5c: {  	_ =	shalt  }
0x5d: {  	_ =	shalt  }
0x5e: {  	_ =	shalt  }
0x5f: {  	_ =	shalt  }
0x60: {  	_ =	shalt  }
0x61: {  	_ =	shalt  }
0x62: {  	_ =	shalt  }
0x63: {  	_ =	shalt  }
0x64: {  	_ =	shalt  }
0x65: {  	_ =	shalt  }
0x66: {  	_ =	shalt  }
0x67: {  	_ =	shalt  }
0x68: {  	_ =	shalt  }
0x69: {  	_ =	shalt  }
0x6a: {  	_ =	shalt  }
0x6b: {  	_ =	shalt  }
0x6c: {  	_ =	shalt  }
0x6d: {  	_ =	shalt  }
0x6e: {  	_ =	shalt  }
0x6f: {  	_ =	shalt  }
0x70: {  	_ =	shalt  }
0x71: {  	_ =	shalt  }
0x72: {  	_ =	shalt  }
0x73: {  	_ =	shalt  }
0x74: {  	_ =	shalt  }
0x75: {  	_ =	shalt  }
0x76: {  	_ =	shalt  }
0x77: {  	_ =	shalt  }
0x78: {  	_ =	shalt  }
0x79: {  	_ =	shalt  }
0x7a: {  	_ =	shalt  }
0x7b: {  	_ =	shalt  }
0x7c: {  	_ =	shalt  }
0x7d: {  	_ =	shalt  }
0x7e: {  	_ =	shalt  }
0x7f: {  	_ =	shalt  }
0x80: {  	_ =	shalt  }
0x81: {  	_ =	shalt  }
0x82: {  	_ =	shalt  }
0x83: {  	_ =	shalt  }
0x84: {  	_ =	shalt  }
0x85: {  	_ =	shalt  }
0x86: {  	_ =	shalt  }
0x87: {  	_ =	shalt  }
.Lfunc_end0:
.L_simem_size_0:
called_computation_lowered:
.L_overlay_start_0:
0x88: {  	s2 =	sld [smem:$0x3FD9]  }
0x89: {  	s3 =	sld [smem:$0x3FFE];
	_ =	sdelay $0x1  }
0x8a: {  	s1 =	srdreg.scid  }
0x8b: {  	s0 =	sand.u32 $0x1, s1  }
0x8c: {  	s17 =	sshll.u32 s0, $0xA;
	s2 =	sadd.s32 s3, s2  }
0x8d: {  	s2 =	sadd.s32 s2, s17  }
0x8e: {  	[smem:$0x3FC4] =	sst s2  }
0x8f: {  	_ = 	snop  }
0x90: {  	s2 =	sld [smem:$0x3FC9]  }
0x91: {  	s18 =	sld [smem:$0x3FC8];
	(tm) =	ssettm $0x1  }
0x92: {  	s4 =	sld [smem:$0x3FFB];
	_ =	sdelay $0x3  }
0x93: {  	_ =	strace s4  }
0x94: {  	s4 =	sld [smem:$0x3FFC];
	_ =	sdelay $0x3  }
0x95: {  	_ =	strace s4  }
0x96: {  	s4 =	sld [smem:$0x3FFD];
	_ =	sdelay $0x3  }
0x97: {  	_ =	strace s4  }
0x98: {  	_ =	strace $0x8FFFFFFF  }
0x99: {  	s19 =	sld [smem:$0x3FDB];
	_ =	sdelay $0x1  }
0x9a: {  	s5 =	simm.s32 $_scs_section_size  }
0x9b: {  	s6 =	simm.s32 $_size__tile_overlayer_lowered;
	s7 =	simm.s32 $_tile_overlayer_lowered  }
0x9c: {  	s22 =	simm.s32 $0x1BFF;
	s21 =	sshll.u32 s7, $0x1;
	s4 =	sadd.s32 s5, s19  }
0x9d: {  	s8 =	simm.s32 $0x0;
	s20 =	sshll.u32 s6, $0x1;
	s6 =	sadd.s32 s21, s4  }
0x9e: {  	[timem:s8], [sflag:s22] =	dma.local [hbm:s6], s20  }
0x9f: {  	_ =	swait.ge [sflag:s22], s20  }
0xa0: {  	s5 =	ssub.s32 $0x0, s20;
	[sflag:s22] =	ssyncset.done $0x0  }
0xa1: {  	[sflag:s22] =	ssyncadd.s32 s5;
	_ =	sdelay $0x1  }
0xa2: {  	s23 =	simm.s32 $0x1B8B  }
0xa3: {  	_ =	swait.ge [sflag:s23], $0x1  }
0xa4: {  	[sflag:s23] =	ssyncset.done $0x0  }
0xa5: {  	s25 =	simm.s32 $0x1B8E;
	s24 =	sld [smem:$0x3FFE];
	[sflag:s23] =	ssyncadd.s32 $0xFFFFFFFF  }
0xa6: {  	s26 =	simm.s32 $execute0_lowered;
	[smem:$0x3FD2] =	sst s25  }
0xa7: {  	s6 =	sshll.u32 s26, $0x1;
	_ =	strace $0x80000046;
	[dreg:$0x1] =	wrdreg $0xFFFFFFFF  }
0xa8: {  	s28 =	simm.s32 $_size_execute0_lowered;
	s4 =	sadd.s32 s4, s6;
	[dreg:$0x0] =	wrdreg $0x0  }
0xa9: {  	s6 =	sshll.u32 s28, $0x1;
	[dreg:$0x2] =	wrdreg s4  }
0xaa: {  	[dreg:$0x3] =	wrdreg s6  }
0xab: {  	[dreg:$0x4] =	wrdreg $0xC0  }
0xac: {  	_ =	task [dreg:s8], $0x5FFFF  }
0xad: {  	[dreg:$0x1] =	wrdreg $0xFFFFFFFF  }
0xae: {  	[dreg:$0x0] =	wrdreg $0x60  }
0xaf: {  	[dreg:$0x2] =	wrdreg s2  }
0xb0: {  	[dreg:$0x3] =	wrdreg s18  }
0xb1: {  	[dreg:$0x4] =	wrdreg s24  }
0xb2: {  	[dreg:$0x5] =	wrdreg $0x9  }
0xb3: {  	_ =	task.clear_ibuf [dreg:s8], $0x6FFFF;
	_ =	strace $0x90000046  }
0xb4: {  	s29 =	simm.s32 $0x9;
	_ =	strace $0x80000048  }
0xb5: {  	_ =	swait.ge [sflag:s29], $0x1  }
0xb6: {  	[sflag:s29] =	ssyncadd.s32 $0xFFFFFFFF  }
0xb7: {  	_ =	strace $0x90000048  }
0xb8: {  	_ =	sfence  }
0xb9: {  	s30 =	sld [smem:$0x0];
	_ =	sdelay $0x2  }
0xba: {  	s31 =	sshll.u32 s1, $0xD;
	s1 =	sshrl.u32 s1, $0x2  }
0xbb: {  	s3 =	sand.u32 $0x4000, s31;
	s1 =	sadd.s32 s1, s30  }
0xbc: {  	s0 =	sor.u32 s3, s0;
	s1 =	sshll.u32 s1, $0x11  }
0xbd: {  	s0 =	sor.u32 s1, s0  }
0xbe: {  	s0 =	sadd.s32 $0x8F2B, s0  }
0xbf: {  	[sflag:s0] =	ssyncadd.remote.s32 $0x1  }
0xc0: {  	_ =	sfence.sel $0xFFFF  }
0xc1: {  	[dreg:$0x0] =	wrdreg $0xFFFFFFFF;
	(pc) =	sbr.abs _section_cstart, $3  }
0xc2: {  	[dreg:$0x1] =	wrdreg $0xFFFFFFFF  }
0xc3: {  	_ =	task.clear_ibuf [dreg:s8], $0x2FFFF;
	_ =	strace $0x9FFFFFFF  }
0xc4: {  	(tm) =	ssettm $0x7FFFFFFF  }
0xc5: {  	_ =	shalt  }
tec
execute0_lowered:
.L_overlay_start_1:
0x0: {  	(tag) =	ssettag $0x1  }
0x1: {  	s2 =	stileid.u32  }
0x2: {  	p0 =	sgt.u32 s2, $0x1  }
.Ltmp0:
0x3: {  	s1 =	rddreg [dreg:$0x0];
	(pc) =	sbr.rel @p0 .LBB2_5-.Ltmp0, $4  }
0x4: {  	s3 =	rddreg [dreg:$0x1]  }
0x5: {  	s7 =	rddreg [dreg:$0x2];
	s4 =	simm.s32 $0x0  }
0x6: {  	[smem:$0x7FF] =	sst s4  }
0x7: {  	s0 =	rddreg [dreg:$0x3];
	_ =	strace $0x80000047  }
0x8: {  	v0 =	vimm.s32 $0xF80  }
0x9: {  	vm0 =	vcmask $0x300;
	vm1 =	vcmask $0x704;
	vm2 =	vcmask $0xB08  }
0xa: {  	vm3 =	vcmask $0xF0C;
	vm4 =	vcmask $0x1310;
	v1 =	vimm.s32 $0x1380  }
0xb: {  	v2 =	vimm.s32 $0x1780;
	v8 =	vlaneseq.u32;
	v0 =	vsel vm0, $0x0, v0  }
0xc: {  	v1 =	vsel vm0, $0x400, v1;
	v2 =	vsel vm0, $0x800, v2;
	vm0 =	vcmask $0x1714  }
0xd: {  	s5 =	srdreg.scid;
	v4 =	vmul.u32 $0x1000, v8;
	v6 =	vshrl.u32 v8, $0x3;
	v0 =	vsel vm1, $0x80, v0  }
0xe: {  	s6 =	sand.u32 $0x1, s5;
	v1 =	vsel vm1, $0x480, v1;
	v2 =	vsel vm1, $0x880, v2;
	vm1 =	vcmask $0x1B18  }
0xf: {  	s30 =	sshll.u32 s2, $0x5;
	s8 =	sshll.u32 s6, $0x4;
	v0 =	vsel vm2, $0x100, v0;
	v1 =	vsel vm2, $0x500, v1;
	v2 =	vsel vm2, $0x900, v2  }
0x10: {  	s5 =	sor.u32 s8, s30;
	vm2 =	vcmask $0x1F1C;
	v0 =	vsel vm3, $0x180, v0;
	v1 =	vsel vm3, $0x580, v1  }
0x11: {  	v2 =	vsel vm3, $0x980, v2;
	v3 =	vmov s5;
	v0 =	vsel vm4, $0x200, v0  }
0x12: {  	v1 =	vsel vm4, $0x600, v1;
	v2 =	vsel vm4, $0xA00, v2;
	v3 =	vshll.u32 v3, $0xC  }
0x13: {  	v0 =	vsel vm0, $0x280, v0;
	v1 =	vsel vm0, $0x680, v1;
	v2 =	vsel vm0, $0xA80, v2  }
0x14: {  	vm0 =	vcmask $0x2320;
	v0 =	vsel vm1, $0x300, v0;
	v1 =	vsel vm1, $0x700, v1  }
0x15: {  	v2 =	vsel vm1, $0xB00, v2;
	vm1 =	vcmask $0x2724;
	v0 =	vsel vm2, $0x380, v0  }
0x16: {  	v1 =	vsel vm2, $0x780, v1;
	v2 =	vsel vm2, $0xB80, v2;
	vm2 =	vcmask $0x2B28  }
0x17: {  	v5 =	vsel vm0, $0xC00, v0;
	v0 =	vor.u32 v4, v3;
	v4 =	vsel vm0, $0x1000, v1  }
0x18: {  	v2 =	vsel vm0, $0x1400, v2;
	vm0 =	vcmask $0x2F2C;
	v3 =	vsel vm1, $0xC80, v5  }
0x19: {  	v1 =	vor.u32 $0xFFF, v0;
	v4 =	vsel vm1, $0x1080, v4;
	v5 =	vsel vm1, $0x1480, v2  }
0x1a: {  	s11 =	simm.s32 $0x10;
	s12 =	simm.s32 $0x80;
	v2 =	vand.u32 $0x7, v8;
	vm1 =	vcmask $0x3330;
	v3 =	vsel vm2, $0xD00, v3  }
0x1b: {  	s13 =	simm.s32 $0x200;
	s14 =	simm.s32 $0x100;
	s15 =	simm.s32 $0xA00;
	v4 =	vsel vm2, $0x1100, v4;
	v5 =	vsel vm2, $0x1500, v5;
	vm2 =	vcmask $0x3734  }
0x1c: {  	s16 =	simm.s32 $0x1200;
	s17 =	simm.s32 $0x1A00;
	s18 =	simm.s32 $0x1E00;
	v7 =	vsel vm0, $0xD80, v3;
	v3 =	vmul.u32 $0x4, v6;
	v4 =	vsel vm0, $0x1180, v4  }
0x1d: {  	s19 =	simm.s32 $0x2600;
	s20 =	simm.s32 $0x1;
	s21 =	simm.s32 $0x2;
	v5 =	vsel vm0, $0x1580, v5;
	vm0 =	vmmov $0xffff;
	v6 =	vsel vm1, $0xE00, v7  }
0x1e: {  	s22 =	simm.s32 $0x3;
	s23 =	simm.s32 $0x2A00;
	s31 =	ssub.s32 $0x2, s6;
	v4 =	vsel vm1, $0x1200, v4;
	v5 =	vsel vm1, $0x1600, v5;
	vm1 =	vcmask $0x3B38  }
0x1f: {  	s24 =	simm.s32 $0x0;
	s6 =	sadd.s32 $0x400, s7;
	s9 =	sshrl.u32 s31, $0x1;
	v6 =	vsel vm2, $0xE80, v6;
	v7 =	vsel vm2, $0x1280, v4;
	v9 =	vsel vm2, $0x1680, v5  }
0x20: {  	s10 =	sadd.s32 s5, s7;
	s9 =	ssub.s32 s31, s9;
	s7 =	sadd.s32 $0x480, s7;
	v4 =	vsel vm1, $0xF00, v6;
	v5 =	vsel vm1, $0x1300, v7;
	v6 =	vsel vm1, $0x1700, v9  }
0x21: {  	s8 =	sadd.s32 $0x600, s10;
	s9 =	smax.u32 s9, $0x1;
	s10 =	simm.s32 $0x4;
	vm1 =	vmmov $0xff;
	v7 =	vor.u32 $0x8, v8;
	v8 =	vmul.u32 $0x80, v8  }
.LBB2_2:
0x22: {  	s25 =	simm.s32 $0x0  }
0x23: {  	[tilespmem:s25], [sflag:$0x4] =	stream.linear.gather [hbm4b:s3+s25], $0x80, $0x38;
	[tilespmem:$0x2A80] =	vst v63  }
0x24: {  	_ =	swait.ge [sflag:s10], $0x80  }
0x25: {  	[sflag:s10] =	ssyncset.done $0x0  }
0x26: {  	[sflag:s10] =	ssyncadd.s32 $0xFFFFFF80  }
0x27: {  	v9 =	vld [tilespmem:s5+$0x0];
	_ =	sdelay $0x4  }
0x28: {  	[tilespmem:$0x100] =	vst v1;
	v10 =	vshra.s32 v9, $0x2;
	v9 =	vand.u32 $0x3, v9  }
0x29: {  	v10 =	vadd.s32 v0, v10;
	[tilespmem:$0x180] =	vst v9  }
0x2a: {  	[tilespmem:$0x80] =	vst v10  }
0x2b: {  	[tilespmem:s13], [sflag:$0x1] =	stream.indirect.gather [hbm4b:s1+s11], $0x80, s12, s11, $0xb8;
	[tilespmem:$0x2A80] =	vst v63  }
0x2c: {  	_ = 	snop  }
0x2d: {  	[tilespmem:s15], [sflag:$0x2] =	stream.indirect.gather [hbm4b:s1+s11], $0x80, s14, s11, $0xb8;
	[tilespmem:$0x2A80] =	vst v63  }
0x2e: {  	v9 =	vld [tilespmem:$0x180];
	_ =	sdelay $0x4  }
0x2f: {  	v10 =	vshrl.u32 v9, $0x2  }
0x30: {  	v10 =	vmul.u32 $0xC, v10  }
0x31: {  	v9 =	vand.u32 $0x3, v9  }
0x32: {  	v9 =	vor.u32 v9, v10  }
0x33: {  	v10 =	vperm.xlane v9, v2;
	_ =	sdelay $0x1  }
0x34: {  	v10 =	vadd.s32 v3, v10;
	_ =	sdelay $0x1  }
0x35: {  	v9 =	vperm.xlane v9, v7;
	_ =	sdelay $0x1  }
0x36: {  	v9 =	vadd.s32 v3, v9  }
0x37: {  	[tilespmem:s16], [sflag:$0x3] =	stream.indirect_vreg.gather [hbm4b:s6+s25], $0x80, v10, vm0, $0xb8;
	[tilespmem:$0x2A80] =	vst v63  }
0x38: {  	_ = 	snop  }
0x39: {  	[tilespmem:s17], [sflag:$0x3] =	stream.indirect_vreg.gather [hbm4b:s7+s25], $0x80, v10, vm1, $0xb8;
	[tilespmem:$0x2A80] =	vst v63  }
0x3a: {  	_ = 	snop  }
0x3b: {  	[tilespmem:s18], [sflag:$0x3] =	stream.indirect_vreg.gather [hbm4b:s6+s25], $0x80, v9, vm0, $0xb8;
	[tilespmem:$0x2A80] =	vst v63  }
0x3c: {  	_ = 	snop  }
0x3d: {  	[tilespmem:s19], [sflag:$0x3] =	stream.indirect_vreg.gather [hbm4b:s7+s25], $0x80, v9, vm1, $0xb8;
	[tilespmem:$0x2A80] =	vst v63  }
0x3e: {  	_ =	swait.ge [sflag:s20], $0x800  }
0x3f: {  	[sflag:s20] =	ssyncset.done $0x0  }
0x40: {  	[sflag:s20] =	ssyncadd.s32 $0xFFFFF800  }
0x41: {  	_ =	swait.ge [sflag:s21], $0x800  }
0x42: {  	v9 =	vor.u32 s25, v8;
	[sflag:s21] =	ssyncset.done $0x0  }
0x43: {  	v10 =	vor.u32 s25, v4;
	[sflag:s21] =	ssyncadd.s32 $0xFFFFF800  }
0x44: {  	_ =	swait.ge [sflag:s22], $0x1800  }
0x45: {  	s30 =	simm.s32 $0x1;
	v11 =	vor.u32 s25, v5;
	[sflag:s22] =	ssyncset.done $0x0  }
0x46: {  	v12 =	vor.u32 s30, v8;
	[sflag:s22] =	ssyncadd.s32 $0xFFFFE800  }
0x47: {  	v14 =	vor.u32 s30, v4;
	v13 =	vld.idx.msk [tilespmem:v9+s13+$0x0], $0xffff  }
0x48: {  	v10 =	vld.idx.msk [tilespmem:v10+s16+$0x0], $0xffff  }
0x49: {  	s31 =	simm.s32 $0x2;
	v15 =	vor.u32 s30, v5;
	v17 =	vld.idx.msk [tilespmem:v9+s15+$0x0], $0xffff  }
0x4a: {  	v20 =	vor.u32 s31, v4;
	v18 =	vld.idx.msk [tilespmem:v11+s16+$0x0], $0xffff  }
0x4b: {  	v19 =	vor.u32 s31, v8;
	v22 =	vld.idx.msk [tilespmem:v12+s13+$0x0], $0xffff  }
0x4c: {  	s26 =	simm.s32 $0x3;
	v21 =	vor.u32 s31, v5;
	v14 =	vld.idx.msk [tilespmem:v14+s16+$0x0], $0xffff  }
0x4d: {  	v9 =	vld.idx.msk [tilespmem:v12+s15+$0x0], $0xffff;
	v12 =	vor.u32 s26, v8  }
0x4e: {  	v16 =	vld.idx.msk [tilespmem:v15+s16+$0x0], $0xffff;
	v10 =	vmul.f32 v10, v13  }
0x4f: {  	v15 =	vld.idx.msk [tilespmem:v20+s16+$0x0], $0xffff;
	v20 =	vor.u32 s26, v4;
	v13 =	vimm.f32 $0.0e+00  }
0x50: {  	v11 =	vld.idx.msk [tilespmem:v19+s13+$0x0], $0xffff;
	v24 =	vmul.f32 v18, v17;
	v23 =	vadd.f32 v10, v13  }
0x51: {  	s25 =	simm.s32 $0x4;
	v18 =	vor.u32 s26, v5;
	v17 =	vld.idx.msk [tilespmem:v21+s16+$0x0], $0xffff  }
0x52: {  	v22 =	vmul.f32 v14, v22;
	v14 =	vld.idx.msk [tilespmem:v12+s13+$0x0], $0xffff;
	v13 =	vor.u32 s25, v8;
	v21 =	vadd.f32 v24, v23  }
0x53: {  	s26 =	simm.s32 $0x8;
	v10 =	vld.idx.msk [tilespmem:v19+s15+$0x0], $0xffff;
	v19 =	vor.u32 s25, v4  }
.LBB2_3:
0x54: {  	p0 =	sne.s32 s26, $0x7C;
	v21 =	vadd.f32 v22, v21;
	v9 =	vmul.f32 v16, v9;
	v16 =	vld.idx.msk [tilespmem:v20+s16+$0x0], $0xffff  }
0x55: {  	v20 =	vor.u32 s25, v5;
	s28 =	sadd.s32 $0x1, s25;
	v12 =	vld.idx.msk [tilespmem:v12+s15+$0x0], $0xffff  }
0x56: {  	v22 =	vor.u32 s28, v8;
	v11 =	vmul.f32 v15, v11;
	v9 =	vadd.f32 v9, v21;
	v15 =	vld.idx.msk [tilespmem:v18+s16+$0x0], $0xffff  }
0x57: {  	v21 =	vor.u32 s28, v4;
	v18 =	vld.idx.msk [tilespmem:v13+s13+$0x0], $0xffff  }
0x58: {  	v10 =	vmul.f32 v17, v10;
	v19 =	vld.idx.msk [tilespmem:v19+s16+$0x0], $0xffff;
	v9 =	vadd.f32 v11, v9  }
0x59: {  	v11 =	vor.u32 s28, v5;
	s28 =	sadd.s32 $0x2, s25;
	v13 =	vld.idx.msk [tilespmem:v13+s15+$0x0], $0xffff  }
0x5a: {  	v23 =	vor.u32 s28, v8;
	v17 =	vld.idx.msk [tilespmem:v20+s16+$0x0], $0xffff;
	v9 =	vadd.f32 v10, v9;
	v10 =	vmul.f32 v16, v14  }
0x5b: {  	v24 =	vor.u32 s28, v4;
	v14 =	vld.idx.msk [tilespmem:v22+s13+$0x0], $0xffff  }
0x5c: {  	v15 =	vmul.f32 v15, v12;
	v25 =	vld.idx.msk [tilespmem:v21+s16+$0x0], $0xffff;
	v10 =	vadd.f32 v10, v9  }
0x5d: {  	v26 =	vor.u32 s28, v5;
	s28 =	sadd.s32 $0x3, s25;
	s25 =	smov.u32 s26;
	v9 =	vld.idx.msk [tilespmem:v22+s15+$0x0], $0xffff  }
0x5e: {  	v12 =	vor.u32 s28, v8;
	v18 =	vmul.f32 v19, v18;
	v16 =	vld.idx.msk [tilespmem:v11+s16+$0x0], $0xffff;
	v10 =	vadd.f32 v15, v10  }
.Ltmp1:
0x5f: {  	v20 =	vor.u32 s28, v4;
	v11 =	vld.idx.msk [tilespmem:v23+s13+$0x0], $0xffff;
	(pc) =	sbr.rel @p0 .LBB2_3-.Ltmp1, $4  }
0x60: {  	v17 =	vmul.f32 v17, v13;
	v19 =	vadd.f32 v18, v10;
	v15 =	vld.idx.msk [tilespmem:v24+s16+$0x0], $0xffff  }
0x61: {  	v18 =	vor.u32 s28, v5;
	v10 =	vld.idx.msk [tilespmem:v23+s15+$0x0], $0xffff  }
0x62: {  	v13 =	vor.u32 s26, v8;
	v22 =	vmul.f32 v25, v14;
	v21 =	vadd.f32 v17, v19;
	v17 =	vld.idx.msk [tilespmem:v26+s16+$0x0], $0xffff  }
0x63: {  	s26 =	sadd.s32 $0x4, s26;
	v19 =	vor.u32 s25, v4;
	v14 =	vld.idx.msk [tilespmem:v12+s13+$0x0], $0xffff  }
0x64: {  	_ =	sdelay $0x2  }
0x65: {  	v21 =	vadd.f32 v22, v21;
	v9 =	vmul.f32 v16, v9  }
0x66: {  	v41 =	vld.idx.msk [tilespmem:v20+s16+$0x0], $0xffff  }
0x67: {  	v42 =	vor.u32 s25, v5;
	s26 =	sadd.s32 $0x1, s25;
	v12 =	vld.idx.msk [tilespmem:v12+s15+$0x0], $0xffff;
	v11 =	vmul.f32 v15, v11;
	v9 =	vadd.f32 v9, v21  }
0x68: {  	v18 =	vld.idx.msk [tilespmem:v18+s16+$0x0], $0xffff;
	v43 =	vor.u32 s26, v8  }
0x69: {  	v44 =	vld.idx.msk [tilespmem:v13+s13+$0x0], $0xffff;
	v45 =	vor.u32 s26, v4;
	v10 =	vmul.f32 v17, v10;
	v9 =	vadd.f32 v11, v9  }
0x6a: {  	v11 =	vld.idx.msk [tilespmem:v19+s16+$0x0], $0xffff  }
0x6b: {  	v46 =	vld.idx.msk [tilespmem:v13+s15+$0x0], $0xffff;
	s30 =	sadd.s32 $0x2, s25;
	v47 =	vor.u32 s26, v5;
	v9 =	vadd.f32 v10, v9;
	v10 =	vmul.f32 v41, v14  }
0x6c: {  	v49 =	vor.u32 s30, v8;
	v48 =	vld.idx.msk [tilespmem:v42+s16+$0x0], $0xffff  }
0x6d: {  	v51 =	vor.u32 s30, v4;
	v50 =	vld.idx.msk [tilespmem:v43+s13+$0x0], $0xffff;
	v9 =	vadd.f32 v10, v9;
	v10 =	vmul.f32 v18, v12  }
0x6e: {  	v52 =	vld.idx.msk [tilespmem:v45+s16+$0x0], $0xffff  }
0x6f: {  	s31 =	sadd.s32 $0x3, s25;
	v53 =	vor.u32 s30, v5;
	v15 =	vld.idx.msk [tilespmem:v43+s15+$0x0], $0xffff;
	v11 =	vmul.f32 v11, v44;
	v9 =	vadd.f32 v10, v9  }
0x70: {  	v54 =	vor.u32 s31, v8;
	v10 =	vld.idx.msk [tilespmem:v47+s16+$0x0], $0xffff  }
0x71: {  	v56 =	vor.u32 s31, v4;
	v55 =	vld.idx.msk [tilespmem:v49+s13+$0x0], $0xffff;
	v9 =	vadd.f32 v11, v9;
	v11 =	vmul.f32 v48, v46  }
0x72: {  	v57 =	vld.idx.msk [tilespmem:v51+s16+$0x0], $0xffff  }
0x73: {  	v59 =	vor.u32 s31, v5;
	v58 =	vld.idx.msk [tilespmem:v49+s15+$0x0], $0xffff;
	v9 =	vadd.f32 v11, v9;
	v11 =	vmul.f32 v52, v50  }
0x74: {  	v60 =	vld.idx.msk [tilespmem:v53+s16+$0x0], $0xffff  }
0x75: {  	v61 =	vld.idx.msk [tilespmem:v54+s13+$0x0], $0xffff;
	v10 =	vmul.f32 v10, v15;
	v9 =	vadd.f32 v11, v9  }
0x76: {  	v11 =	vld.idx.msk [tilespmem:v56+s16+$0x0], $0xffff  }
0x77: {  	v62 =	vld.idx.msk [tilespmem:v54+s15+$0x0], $0xffff;
	v9 =	vadd.f32 v10, v9;
	v10 =	vmul.f32 v57, v55  }
0x78: {  	v63 =	vld.idx.msk [tilespmem:v59+s16+$0x0], $0xffff  }
0x79: {  	v9 =	vadd.f32 v10, v9;
	v10 =	vmul.f32 v60, v58;
	_ =	sdelay $0x1  }
0x7a: {  	v9 =	vadd.f32 v10, v9;
	v10 =	vmul.f32 v11, v61  }
0x7b: {  	v11 =	vld.idx.msk [tilespmem:v6+s16+$0x0], $0xffff  }
0x7c: {  	v9 =	vadd.f32 v10, v9;
	v10 =	vmul.f32 v63, v62;
	_ =	sdelay $0x1  }
0x7d: {  	v9 =	vadd.f32 v10, v9;
	_ =	sdelay $0x1  }
0x7e: {  	s24 =	sadd.s32 $0x1, s24;
	v9 =	vadd.f32 v11, v9  }
0x7f: {  	p0 =	sne.s32 s24, s9  }
.Ltmp2:
0x80: {  	[tilespmem:$0x2A00] =	vst v9;
	(pc) =	sbr.rel @p0 .LBB2_2-.Ltmp2, $4  }
0x81: {  	[hbm4b:s8+s4] =	stream.linear.scatter [tilespmem:s23], [sflag:$0x4], $0x80, $0x38;
	[tilespmem:$0x2A80] =	vst v63  }
0x82: {  	_ =	swait.ge [sflag:s10], $0x80  }
0x83: {  	[sflag:s10] =	ssyncset.done $0x0  }
0x84: {  	[sflag:s10] =	ssyncadd.s32 $0xFFFFFF80  }
.LBB2_5:
0x85: {  	_ =	sfence.sel $0x180000  }
0x86: {  	[bflag:$0x0] =	sbarrier.arrive $0xFFFF  }
0x87: {  	p0 =	sne.s32 s2, $0x0;
	_ =	strace $0x90000047  }
0x88: {  	s0 =	sadd.s32 @!p0 $0x100000, s0;
	[bflag:$0x2] =	sbarrier.arrive $0xFFFF  }
0x89: {  	[sflag:s0] =	ssyncadd.tile.s32 @!p0 $0x1;
	_ =	shalt  }
.Lfunc_end2:
_tile_overlayer_lowered:
.L_overlay_start_2:
0x8a: {  	(tag) =	ssettag $0x2  }
0x8b: {  	s0 =	rddreg [dreg:$0x0];
	s2 =	stileid.u32  }
0x8c: {  	s1 =	rddreg [dreg:$0x1];
	p0 =	sne.s32 s2, $0x0  }
0x8d: {  	s3 =	rddreg [dreg:$0x2];
	[bflag:$0x3] =	sbarrier.arrive $0xFFFF;
	s2 =	simm.s32 @!p0 $0x1C04  }
0x8e: {  	[timem:s3], [sflag:s2] =	dma.local @!p0 [hbm:s0], s1  }
0x8f: {  	s0 =	simm.s32 @!p0 $0x4  }
0x90: {  	_ =	swait.ge @!p0 [sflag:s0], s1  }
0x91: {  	s1 =	ssub.s32 @!p0 $0x0, s1;
	[sflag:s0] =	ssyncset.done @!p0 $0x0  }
0x92: {  	[sflag:s0] =	ssyncadd.s32 @!p0 s1  }
0x93: {  	[bflag:$0x3] =	sbarrier.arrive $0xFFFF  }
0x94: {  	_ =	shalt  }

</sc_bundles>
